<compile_context>
chip_gen: v7x
topology: tpu7x:2x2x1
jax: 0.10.2.dev20260603
libtpu: 0.0.44.dev20260713+nightly
codegen_flags: <defaults>
</compile_context>

<pallas_src>
import dataclasses
import functools

import jax
import jax.numpy as jnp
from jax import lax
from jax.experimental import pallas as pl
from jax.experimental.pallas import tpu as pltpu
from jax.experimental.pallas import tpu_sc as plsc

VOCAB_PAD = 1024
NC, NS, L = 2, 16, 16
NW = NC * NS


def _project_table_kernel(tt_ref, wt_ref, b_ref, out_ref, *, inv_seq, vocab):
    dot = lax.dot_general(
        wt_ref[...], tt_ref[...],
        dimension_numbers=(((1,), (0,)), ((), ())),
        preferred_element_type=jnp.float32,
        precision=lax.Precision.HIGHEST,
    )
    out_ref[...] = jnp.zeros_like(out_ref)
    out_ref[:, :vocab] = (dot + b_ref[0]) * inv_seq


def _make_sc_gather_pool(batch, seq):
    rows_per_w = batch // NW
    chunks = rows_per_w // L
    mesh = plsc.VectorSubcoreMesh(core_axis_name="c", subcore_axis_name="s")

    cp = pltpu.CompilerParams()
    if "needs_layout_passes" in pltpu.CompilerParams.__dataclass_fields__:
        cp = dataclasses.replace(cp, needs_layout_passes=False)

    @functools.partial(
        pl.kernel,
        compiler_params=cp,
        out_type=jax.ShapeDtypeStruct((batch,), jnp.float32),
        mesh=mesh,
        scratch_types=[
            pltpu.VMEM((seq, rows_per_w), jnp.int32),
            pltpu.VMEM((VOCAB_PAD,), jnp.float32),
            pltpu.VMEM((rows_per_w,), jnp.float32),
            pltpu.SemaphoreType.DMA,
            pltpu.SemaphoreType.DMA,
        ],
    )
    def sc_kernel(xt_hbm, t_hbm, o_hbm, x_v, t_v, o_v, sem_t, sem_x):
        wid = lax.axis_index("s") * NC + lax.axis_index("c")
        base = wid * rows_per_w
        cp_t = pltpu.async_copy(t_hbm.at[0], t_v, sem_t)
        cp_x = pltpu.async_copy(xt_hbm.at[:, pl.ds(base, rows_per_w)], x_v,
                                sem_x)
        cp_t.wait()
        cp_x.wait()

        @pl.loop(0, chunks)
        def _(c):
            row0 = c * L

            def body(l, acc):
                xv = x_v[l, pl.ds(row0, L)]
                return acc + plsc.load_gather(t_v, [xv])

            acc = lax.fori_loop(0, seq, body, jnp.zeros((L,), jnp.float32),
                                unroll=5)
            o_v[pl.ds(row0, L)] = 1.0 / (1.0 + jnp.exp(-acc))

        pltpu.sync_copy(o_v, o_hbm.at[pl.ds(base, rows_per_w)])

    return sc_kernel


def kernel(x, table, W, b):
    batch, seq = x.shape
    vocab, dim = table.shape

    t_proj = pl.pallas_call(
        functools.partial(_project_table_kernel, inv_seq=1.0 / seq,
                          vocab=vocab),
        out_shape=jax.ShapeDtypeStruct((1, VOCAB_PAD), jnp.float32),
        in_specs=[
            pl.BlockSpec(memory_space=pltpu.VMEM),
            pl.BlockSpec(memory_space=pltpu.VMEM),
            pl.BlockSpec(memory_space=pltpu.SMEM),
        ],
        out_specs=pl.BlockSpec(memory_space=pltpu.VMEM),
    )(table.T, W.T, b)

    out_flat = _make_sc_gather_pool(batch, seq)(x.T.astype(jnp.int32), t_proj)
    return out_flat.reshape(batch, 1)

# --- scband reference (transcript-rebuilt; emitter-appended) ---
"""Pipeline reference for scband-torch-model-44753559224546 (READ-ONLY COPY).

The authoritative reference and input builder live on the scoring server;
editing this copy changes nothing except your own understanding.
"""

import jax, jax.numpy as jnp
import numpy as np

VOCAB = 1000
DIM = 64
BATCH = 16384
SEQ = 50

def setup_inputs(seed: int = 0) -> dict:
    key = jax.random.key(seed)
    k1, k2, k3, k4 = jax.random.split(key, 4)
    x = jax.random.randint(k1, (BATCH, SEQ), 0, VOCAB, dtype=jnp.int64 if jax.config.jax_enable_x64 else jnp.int32)
    table = jax.random.normal(k2, (VOCAB, DIM), dtype=jnp.float32)
    W = jax.random.normal(k3, (DIM, 1), dtype=jnp.float32) * 0.1
    b = jnp.zeros((1,), dtype=jnp.float32)
    return {"x": x, "table": table, "W": W, "b": b}

def reference(x, table, W, b):
    # embedding lookup: [B, L] -> [B, L, D]
    emb = jnp.take(table, x, axis=0)
    # transpose(1,2) + AvgPool1d(sentence_length) + squeeze == mean over sequence axis
    pooled = jnp.mean(emb, axis=1)  # [B, D]
    logits = pooled @ W + b         # [B, 1]
    y_pred = jax.nn.sigmoid(logits)
    return y_pred

if __name__ == "__main__":
    import jax
    _d = setup_inputs()
    print(jax.jit(kernel)(*tuple(_d.values())))

</pallas_src>

<mosaic_0001>
#map = affine_map<(d0, d1) -> (0, 0)>
#map1 = affine_map<(d0, d1) -> (0)>
module attributes {stable_mosaic.version = 14 : i64} {
  func.func @sc_kernel(%arg0: i32, %arg1: i32, %arg2: memref<50x16384xi32, #tpu.memory_space<hbm>>, %arg3: memref<1x1024xf32, #tpu.memory_space<hbm>>, %arg4: memref<16384xf32, #tpu.memory_space<hbm>>, %arg5: memref<50x512xi32, #tpu.memory_space<vmem>>, %arg6: memref<1024xf32, #tpu.memory_space<vmem>>, %arg7: memref<512xf32, #tpu.memory_space<vmem>>, %arg8: memref<!tpu.dma_semaphore, #tpu.memory_space<semaphore_mem>>, %arg9: memref<!tpu.dma_semaphore, #tpu.memory_space<semaphore_mem>>) attributes {dimension_semantics = [#tpu.dimension_semantics<core_parallel>, #tpu.dimension_semantics<subcore_parallel>], iteration_bounds = array<i64: 2, 16>, scalar_prefetch = 0 : i64, scratch_operands = 5 : i64, tpu.core_type = #tpu.core_type<sc_vector_subcore>, window_params = [{transform_indices = #map}, {transform_indices = #map}, {transform_indices = #map1}]} {
    %mul3A = arith.constant 2 : i32
    %mul3A_0 = arith.muli %arg1, %mul3A : i32
    %add3A = arith.addi %mul3A_0, %arg0 : i32
    %mul3A_1 = arith.constant 512 : i32
    %mul3A_2 = arith.muli %add3A, %mul3A_1 : i32
    %dma_start3A = arith.constant 0 : i32
    %dma_start3A_3 = arith.constant 0 : i32
    %dma_start3A_4 = tpu.memref_slice %arg3[%dma_start3A, %dma_start3A_3] : memref<1x1024xf32, #tpu.memory_space<hbm>> -> memref<1x1024xf32, #tpu.memory_space<hbm>>
    %dma_start3A_5 = tpu.memref_squeeze %dma_start3A_4 : memref<1x1024xf32, #tpu.memory_space<hbm>> -> memref<1024xf32, #tpu.memory_space<hbm>>
    %dma_start3A_6 = arith.constant 0 : i32
    %dma_start3A_7 = tpu.memref_slice %arg3[%dma_start3A, %dma_start3A_6] : memref<1x1024xf32, #tpu.memory_space<hbm>> -> memref<1x1024xf32, #tpu.memory_space<hbm>>
    %dma_start3A_8 = tpu.memref_squeeze %dma_start3A_7 : memref<1x1024xf32, #tpu.memory_space<hbm>> -> memref<1024xf32, #tpu.memory_space<hbm>>
    tpu.enqueue_dma source(%dma_start3A_8 : memref<1024xf32, #tpu.memory_space<hbm>>) target(%arg6 : memref<1024xf32, #tpu.memory_space<vmem>>) target_semaphore(%arg8 : memref<!tpu.dma_semaphore, #tpu.memory_space<semaphore_mem>>)
    %dma_start3A_9 = arith.constant 0 : i32
    %dma_start3A_10 = tpu.memref_slice %arg2[%dma_start3A_9, %mul3A_2] : memref<50x16384xi32, #tpu.memory_space<hbm>> -> memref<50x512xi32, #tpu.memory_space<hbm>>
    %dma_start3A_11 = arith.constant 0 : i32
    %dma_start3A_12 = tpu.memref_slice %arg2[%dma_start3A_11, %mul3A_2] : memref<50x16384xi32, #tpu.memory_space<hbm>> -> memref<50x512xi32, #tpu.memory_space<hbm>>
    tpu.enqueue_dma source(%dma_start3A_12 : memref<50x512xi32, #tpu.memory_space<hbm>>) target(%arg5 : memref<50x512xi32, #tpu.memory_space<vmem>>) target_semaphore(%arg9 : memref<!tpu.dma_semaphore, #tpu.memory_space<semaphore_mem>>)
    %dma_wait3A = arith.constant 0 : i32
    %dma_wait3A_13 = arith.constant 0 : i32
    %dma_wait3A_14 = tpu.memref_slice %arg3[%dma_wait3A, %dma_wait3A_13] : memref<1x1024xf32, #tpu.memory_space<hbm>> -> memref<1x1024xf32, #tpu.memory_space<hbm>>
    %dma_wait3A_15 = tpu.memref_squeeze %dma_wait3A_14 : memref<1x1024xf32, #tpu.memory_space<hbm>> -> memref<1024xf32, #tpu.memory_space<hbm>>
    %dma_wait3A_16 = arith.constant 0 : i32
    %dma_wait3A_17 = tpu.memref_slice %arg3[%dma_wait3A, %dma_wait3A_16] : memref<1x1024xf32, #tpu.memory_space<hbm>> -> memref<1x1024xf32, #tpu.memory_space<hbm>>
    %dma_wait3A_18 = tpu.memref_squeeze %dma_wait3A_17 : memref<1x1024xf32, #tpu.memory_space<hbm>> -> memref<1024xf32, #tpu.memory_space<hbm>>
    tpu.wait_dma2 semaphore(%arg8 : memref<!tpu.dma_semaphore, #tpu.memory_space<semaphore_mem>>) src(%dma_wait3A_18 : memref<1024xf32, #tpu.memory_space<hbm>>) dst(%arg6 : memref<1024xf32, #tpu.memory_space<vmem>>)
    %dma_wait3A_19 = arith.constant 0 : i32
    %dma_wait3A_20 = tpu.memref_slice %arg2[%dma_wait3A_19, %mul3A_2] : memref<50x16384xi32, #tpu.memory_space<hbm>> -> memref<50x512xi32, #tpu.memory_space<hbm>>
    %dma_wait3A_21 = arith.constant 0 : i32
    %dma_wait3A_22 = tpu.memref_slice %arg2[%dma_wait3A_21, %mul3A_2] : memref<50x16384xi32, #tpu.memory_space<hbm>> -> memref<50x512xi32, #tpu.memory_space<hbm>>
    tpu.wait_dma2 semaphore(%arg9 : memref<!tpu.dma_semaphore, #tpu.memory_space<semaphore_mem>>) src(%dma_wait3A_22 : memref<50x512xi32, #tpu.memory_space<hbm>>) dst(%arg5 : memref<50x512xi32, #tpu.memory_space<vmem>>)
    %scan3A = arith.constant 0 : i32
    %scan3A_23 = arith.constant 32 : i32
    %scan3A_24 = arith.addi %scan3A, %scan3A_23 : i32
    %scan3A_25 = arith.constant 1 : i32
    scf.for %scan3A_27 = %scan3A to %scan3A_24 step %scan3A_25  : i32 {
      %mul3A_28 = arith.constant 1 : i32
      %mul3A_29 = arith.muli %scan3A_27, %mul3A_28 : i32
      %add3A_30 = arith.constant 0 : i32
      %add3A_31 = arith.addi %add3A_30, %mul3A_29 : i32
      %mul3A_32 = arith.constant 16 : i32
      %mul3A_33 = arith.muli %add3A_31, %mul3A_32 : i32
      %broadcast_in_dim3A = arith.constant 0.000000e+00 : f32
      %broadcast_in_dim3A_34 = vector.broadcast %broadcast_in_dim3A : f32 to vector<16xf32>
      %scan3A_35 = arith.constant 0 : i32
      %scan3A_36 = arith.constant 50 : i32
      %scan3A_37 = arith.addi %scan3A_35, %scan3A_36 : i32
      %scan3A_38 = arith.constant 5 : i32
      %scan3A_39 = scf.for %scan3A_49 = %scan3A_35 to %scan3A_37 step %scan3A_38 iter_args(%scan3A_50 = %broadcast_in_dim3A_34) -> (vector<16xf32>)  : i32 {
        %get3A = arith.index_cast %scan3A_49 : i32 to index
        %get3A_51 = arith.index_cast %mul3A_33 : i32 to index
        %get3A_52 = tpu.vector_load %arg5[%get3A, %get3A_51] {strides = array<i32>} : memref<50x512xi32, #tpu.memory_space<vmem>>, vector<16xi32>,
        %gather3A = tpu.vector_load_idx %arg6[%get3A_52] : memref<1024xf32, #tpu.memory_space<vmem>>[vector<16xi32>], vector<16xf32>,
        %add3A_53 = arith.addf %scan3A_50, %gather3A : vector<16xf32>
        %scan3A_54 = arith.constant 1 : i32
        %scan3A_55 = arith.addi %scan3A_49, %scan3A_54 : i32
        %get3A_56 = arith.index_cast %scan3A_55 : i32 to index
        %get3A_57 = arith.index_cast %mul3A_33 : i32 to index
        %get3A_58 = tpu.vector_load %arg5[%get3A_56, %get3A_57] {strides = array<i32>} : memref<50x512xi32, #tpu.memory_space<vmem>>, vector<16xi32>,
        %gather3A_59 = tpu.vector_load_idx %arg6[%get3A_58] : memref<1024xf32, #tpu.memory_space<vmem>>[vector<16xi32>], vector<16xf32>,
        %add3A_60 = arith.addf %add3A_53, %gather3A_59 : vector<16xf32>
        %scan3A_61 = arith.constant 2 : i32
        %scan3A_62 = arith.addi %scan3A_49, %scan3A_61 : i32
        %get3A_63 = arith.index_cast %scan3A_62 : i32 to index
        %get3A_64 = arith.index_cast %mul3A_33 : i32 to index
        %get3A_65 = tpu.vector_load %arg5[%get3A_63, %get3A_64] {strides = array<i32>} : memref<50x512xi32, #tpu.memory_space<vmem>>, vector<16xi32>,
        %gather3A_66 = tpu.vector_load_idx %arg6[%get3A_65] : memref<1024xf32, #tpu.memory_space<vmem>>[vector<16xi32>], vector<16xf32>,
        %add3A_67 = arith.addf %add3A_60, %gather3A_66 : vector<16xf32>
        %scan3A_68 = arith.constant 3 : i32
        %scan3A_69 = arith.addi %scan3A_49, %scan3A_68 : i32
        %get3A_70 = arith.index_cast %scan3A_69 : i32 to index
        %get3A_71 = arith.index_cast %mul3A_33 : i32 to index
        %get3A_72 = tpu.vector_load %arg5[%get3A_70, %get3A_71] {strides = array<i32>} : memref<50x512xi32, #tpu.memory_space<vmem>>, vector<16xi32>,
        %gather3A_73 = tpu.vector_load_idx %arg6[%get3A_72] : memref<1024xf32, #tpu.memory_space<vmem>>[vector<16xi32>], vector<16xf32>,
        %add3A_74 = arith.addf %add3A_67, %gather3A_73 : vector<16xf32>
        %scan3A_75 = arith.constant 4 : i32
        %scan3A_76 = arith.addi %scan3A_49, %scan3A_75 : i32
        %get3A_77 = arith.index_cast %scan3A_76 : i32 to index
        %get3A_78 = arith.index_cast %mul3A_33 : i32 to index
        %get3A_79 = tpu.vector_load %arg5[%get3A_77, %get3A_78] {strides = array<i32>} : memref<50x512xi32, #tpu.memory_space<vmem>>, vector<16xi32>,
        %gather3A_80 = tpu.vector_load_idx %arg6[%get3A_79] : memref<1024xf32, #tpu.memory_space<vmem>>[vector<16xi32>], vector<16xf32>,
        %add3A_81 = arith.addf %add3A_74, %gather3A_80 : vector<16xf32>
        scf.yield %add3A_81 : vector<16xf32>
      }
      %scan3A_40 = arith.constant 50 : i32
      %neg3A = arith.constant 0.000000e+00 : f32
      %neg3A_41 = vector.broadcast %neg3A : f32 to vector<16xf32>
      %neg3A_42 = arith.subf %neg3A_41, %scan3A_39 : vector<16xf32>
      %exp3A = math.exp %neg3A_42 : vector<16xf32>
      %add3A_43 = arith.constant 1.000000e+00 : f32
      %add3A_44 = vector.broadcast %add3A_43 : f32 to vector<16xf32>
      %add3A_45 = arith.addf %add3A_44, %exp3A : vector<16xf32>
      %div3A = arith.constant 1.000000e+00 : f32
      %div3A_46 = vector.broadcast %div3A : f32 to vector<16xf32>
      %div3A_47 = arith.divf %div3A_46, %add3A_45 : vector<16xf32>
      %swap3A = arith.index_cast %mul3A_33 : i32 to index
      %swap3A_48 = tpu.vector_load %arg7[%swap3A] {strides = array<i32>} : memref<512xf32, #tpu.memory_space<vmem>>, vector<16xf32>,
      tpu.vector_store %arg7[%swap3A], %div3A_47 {strides = array<i32>} : memref<512xf32, #tpu.memory_space<vmem>>, vector<16xf32>,
    }
    %scan3A_26 = arith.constant 32 : i32
    "tpu.region"() ({
      %run_scoped3A = tpu.sem_alloc : memref<!tpu.dma_semaphore, #tpu.memory_space<semaphore_mem>>
      %dma_start3A_27 = tpu.memref_slice %arg4[%mul3A_2] : memref<16384xf32, #tpu.memory_space<hbm>> -> memref<512xf32, #tpu.memory_space<hbm>>
      %dma_start3A_28 = tpu.memref_slice %arg4[%mul3A_2] : memref<16384xf32, #tpu.memory_space<hbm>> -> memref<512xf32, #tpu.memory_space<hbm>>
      tpu.enqueue_dma source(%arg7 : memref<512xf32, #tpu.memory_space<vmem>>) target(%dma_start3A_28 : memref<512xf32, #tpu.memory_space<hbm>>) target_semaphore(%run_scoped3A : memref<!tpu.dma_semaphore, #tpu.memory_space<semaphore_mem>>)
      %dma_wait3A_29 = tpu.memref_slice %arg4[%mul3A_2] : memref<16384xf32, #tpu.memory_space<hbm>> -> memref<512xf32, #tpu.memory_space<hbm>>
      %dma_wait3A_30 = tpu.memref_slice %arg4[%mul3A_2] : memref<16384xf32, #tpu.memory_space<hbm>> -> memref<512xf32, #tpu.memory_space<hbm>>
      tpu.wait_dma2 semaphore(%run_scoped3A : memref<!tpu.dma_semaphore, #tpu.memory_space<semaphore_mem>>) src(%arg7 : memref<512xf32, #tpu.memory_space<vmem>>) dst(%dma_wait3A_30 : memref<512xf32, #tpu.memory_space<hbm>>)
      tpu.yield
    }) : () -> ()
    return
  }
}

module attributes {stable_mosaic.version = 14 : i64} {
  func.func @_project_table_kernel(%arg0: memref<64x1000xf32, #tpu.memory_space<vmem>>, %arg1: memref<1x64xf32, #tpu.memory_space<vmem>>, %arg2: memref<1xf32, #tpu.memory_space<smem>>, %arg3: memref<1x1024xf32, #tpu.memory_space<vmem>>) attributes {dimension_semantics = [], scalar_prefetch = 0 : i64, scratch_operands = 0 : i64, tpu.core_type = #tpu.core_type<tc>} {
    %get3A = arith.constant 0 : index
    %get3A_0 = arith.constant 0 : index
    %get3A_1 = vector.load %arg1[%get3A, %get3A_0] : memref<1x64xf32, #tpu.memory_space<vmem>>, vector<1x64xf32>
    %get3A_2 = arith.constant 0 : index
    %get3A_3 = arith.constant 0 : index
    %get3A_4 = vector.load %arg0[%get3A_2, %get3A_3] : memref<64x1000xf32, #tpu.memory_space<vmem>>, vector<64x1000xf32>
    %dot_general3A = arith.constant dense<0.000000e+00> : vector<1x1000xf32>
    %dot_general3A_5 = tpu.matmul %get3A_1, %get3A_4, %dot_general3A {dimension_numbers = #tpu.dot_dimension_numbers<[1], [0], [0], [1], [0, 0, 1, 1], [], []>, precision = #tpu.contract_precision<fp32>, transpose_lhs_hint = false} : vector<1x64xf32>, vector<64x1000xf32>, vector<1x1000xf32> -> vector<1x1000xf32>
    %broadcast_in_dim3A = arith.constant 0.000000e+00 : f32
    %broadcast_in_dim3A_6 = vector.broadcast %broadcast_in_dim3A : f32 to vector<1x1024xf32>
    %swap3A = arith.constant 0 : index
    %swap3A_7 = arith.constant 0 : index
    %swap3A_8 = vector.load %arg3[%swap3A, %swap3A_7] : memref<1x1024xf32, #tpu.memory_space<vmem>>, vector<1x1024xf32>
    tpu.vector_store %arg3[%swap3A, %swap3A_7], %broadcast_in_dim3A_6 {strides = array<i32>} : memref<1x1024xf32, #tpu.memory_space<vmem>>, vector<1x1024xf32>,
    %get3A_9 = arith.constant 0 : index
    %get3A_10 = memref.load %arg2[%get3A_9] : memref<1xf32, #tpu.memory_space<smem>>
    %add3A = vector.broadcast %get3A_10 : f32 to vector<1x1000xf32>
    %add3A_11 = arith.addf %dot_general3A_5, %add3A : vector<1x1000xf32>
    %mul3A = arith.constant 2.000000e-02 : f32
    %mul3A_12 = vector.broadcast %mul3A : f32 to vector<1x1000xf32>
    %mul3A_13 = arith.mulf %add3A_11, %mul3A_12 : vector<1x1000xf32>
    %swap3A_14 = arith.constant 0 : index
    %swap3A_15 = arith.constant 0 : index
    %swap3A_16 = vector.load %arg3[%swap3A_14, %swap3A_15] : memref<1x1024xf32, #tpu.memory_space<vmem>>, vector<1x1000xf32>
    tpu.vector_store %arg3[%swap3A_14, %swap3A_15], %mul3A_13 {strides = array<i32>} : memref<1x1024xf32, #tpu.memory_space<vmem>>, vector<1x1000xf32>,
    return
  }
}

</mosaic_0001>

<sc_bundles>
// kernel: kernel.4.cloned.1.call-start
scs
__scs_entry_jumppad:
0x0: {  	(pc) =	sbr.rel $0x88, $3  }
0x1: {  	(tag) =	ssettag $0x0;
	lr =	simm.s32 $0x1  }
0x2: {  	[smem:$0x3F9D] =	sst lr;
	_ =	strace $0xD0000000  }
0x3: {  	_ = 	snop  }
0x4: {  	_ = 	snop  }
0x5: {  	_ = 	snop  }
0x6: {  	_ = 	snop  }
0x7: {  	_ = 	snop  }
__scs_overlays_trampoline_lowered:
0x8: {  	[smem:$0x3FAC] =	sst s0  }
0x9: {  	[smem:$0x3FAD] =	sst s1  }
0xa: {  	[smem:$0x3FAE] =	sst s2  }
0xb: {  	[smem:$0x3FAF] =	sst s3  }
0xc: {  	[smem:$0x3FB0] =	sst s4  }
0xd: {  	[smem:$0x3FB1] =	sst s5  }
0xe: {  	[smem:$0x3FB2] =	sst s6  }
0xf: {  	[smem:$0x3FB3] =	sst s7  }
0x10: {  	[smem:$0x3FB4] =	sst s8  }
0x11: {  	[smem:$0x3FB5] =	sst s9;
	s0 =	simm.s32 @!p0 $0x0  }
0x12: {  	s1 =	sld [smem:$0x3F9B];
	s0 =	simm.s32 @p0 $0x1  }
0x13: {  	[smem:$0x3FB6] =	sst s0;
	s0 =	simm.s32 @!p1 $0x0  }
0x14: {  	s2 =	sld [smem:$0x3F9A];
	s0 =	simm.s32 @p1 $0x1  }
0x15: {  	[smem:$0x3FB7] =	sst s0;
	s0 =	simm.s32 @!p2 $0x0  }
0x16: {  	s3 =	sld [smem:$0x3FDB];
	s0 =	simm.s32 @p2 $0x1  }
0x17: {  	s4 =	simm.s32 $0x1BF5;
	[smem:$0x3FB9] =	sst s0  }
0x18: {  	s0 =	sld [smem:$0x3F9C];
	_ =	swait.ge [sflag:s4], $0x0  }
0x19: {  	s7 =	sld [smem:$0x3F9D]  }
0x1a: {  	s8 =	sadd.s32 $0xFFFFE003, lr  }
0x1b: {  	s9 =	sadd.s32 $0xFFFFFEF7, lr;
	s5 =	simm.s32 $0xFFFFFFFF;
	p2 =	slt.u32 s8, $0xFFFFF086  }
0x1c: {  	p1 =	slt.u32 s9, $0xF7A;
	s5 =	simm.s32 @!p2 $0x0  }
0x1d: {  	s5 =	simm.s32 @p1 $0x1;
	p0 =	seq.s32 s7, s2  }
0x1e: {  	s7 =	smul.u32 @!p0 $0xF7A, s2;
	p2 =	seq.s32 @!p0 s5, $0x0  }
0x1f: {  	s9 =	smul.u32 $0xF7A, s1;
	s8 =	simm.s32 @!p0 $0x1BF5;
	p2 =	por !p2, p0  }
0x20: {  	[sflag:s8] =	ssyncset.s32 @!p0 $0xFFFFF086;
	s6 =	sadd.s32 @!p0 s3, s7;
	s7 =	simm.s32 @!p0 $0x108  }
0x21: {  	s3 =	sadd.s32 s3, s9;
	s6 =	sadd.s32 @!p0 $0x88, s6;
	s7 =	simm.s32 @p2 $0x1082  }
0x22: {  	[simem:s7], [sflag:s8] =	dma.local @!p0 [hbm:s6], $0xF7A  }
0x23: {  	s9 =	sor.u32 $0xD0000000, s2;
	s6 =	simm.s32 $0x108;
	_ =	swait.ge @!p0 [sflag:s8], $0x0  }
0x24: {  	s3 =	sadd.s32 $0x88, s3;
	s6 =	simm.s32 @!p1 $0x1082;
	[sflag:s4] =	ssyncset.s32 $0xFFFFF086  }
0x25: {  	[simem:s6], [sflag:s4] =	dma.local [hbm:s3], $0xF7A  }
0x26: {  	[smem:$0x3F9D] =	sst s1;
	(tag) =	ssettag s2;
	_ =	strace s9  }
0x27: {  	s1 =	sld [smem:$0x3FAD]  }
0x28: {  	s2 =	sld [smem:$0x3FAE]  }
0x29: {  	s4 =	sld [smem:$0x3FB0]  }
0x2a: {  	p0 =	seq.s32 s5, $0x0;
	s5 =	sld [smem:$0x3FB1]  }
0x2b: {  	s6 =	sld [smem:$0x3FB2]  }
0x2c: {  	s7 =	sld [smem:$0x3FB3]  }
0x2d: {  	s3 =	simm.s32 $0x108;
	s8 =	sld [smem:$0x3FB4]  }
0x2e: {  	s3 =	simm.s32 @!p0 $0x1082;
	s9 =	sld [smem:$0x3FB5]  }
0x2f: {  	lr =	sadd.s32 s0, s3;
	s0 =	sld [smem:$0x3FAC]  }
0x30: {  	s3 =	sld [smem:$0x3FAF]  }
0x31: {  	[smem:$0x3FB8] =	sst s10  }
0x32: {  	s10 =	sld [smem:$0x3FB6];
	_ =	sdelay $0x3  }
0x33: {  	p0 =	seq.s32 s10, $0x1;
	s10 =	sld [smem:$0x3FB8];
	_ =	sdelay $0x3  }
0x34: {  	[smem:$0x3FB8] =	sst s10  }
0x35: {  	s10 =	sld [smem:$0x3FB7];
	_ =	sdelay $0x3  }
0x36: {  	p1 =	seq.s32 s10, $0x1;
	s10 =	sld [smem:$0x3FB8];
	_ =	sdelay $0x3  }
0x37: {  	[smem:$0x3FB8] =	sst s10  }
0x38: {  	s10 =	sld [smem:$0x3FB9]  }
0x39: {  	_ = 	snop;
	(pc) =	sbr.ind lr, $3  }
0x3a: {  	_ = 	snop  }
0x3b: {  	_ = 	snop  }
0x3c: {  	p2 =	seq.s32 s10, $0x1;
	s10 =	sld [smem:$0x3FB8]  }
0x3d: {  	_ =	shalt  }
0x3e: {  	_ =	shalt  }
0x3f: {  	_ =	shalt  }
0x40: {  	_ =	shalt  }
0x41: {  	_ =	shalt  }
0x42: {  	_ =	shalt  }
0x43: {  	_ =	shalt  }
0x44: {  	_ =	shalt  }
0x45: {  	_ =	shalt  }
0x46: {  	_ =	shalt  }
0x47: {  	_ =	shalt  }
0x48: {  	_ =	shalt  }
0x49: {  	_ =	shalt  }
0x4a: {  	_ =	shalt  }
0x4b: {  	_ =	shalt  }
0x4c: {  	_ =	shalt  }
0x4d: {  	_ =	shalt  }
0x4e: {  	_ =	shalt  }
0x4f: {  	_ =	shalt  }
0x50: {  	_ =	shalt  }
0x51: {  	_ =	shalt  }
0x52: {  	_ =	shalt  }
0x53: {  	_ =	shalt  }
0x54: {  	_ =	shalt  }
0x55: {  	_ =	shalt  }
0x56: {  	_ =	shalt  }
0x57: {  	_ =	shalt  }
0x58: {  	_ =	shalt  }
0x59: {  	_ =	shalt  }
0x5a: {  	_ =	shalt  }
0x5b: {  	_ =	shalt  }
0x5c: {  	_ =	shalt  }
0x5d: {  	_ =	shalt  }
0x5e: {  	_ =	shalt  }
0x5f: {  	_ =	shalt  }
0x60: {  	_ =	shalt  }
0x61: {  	_ =	shalt  }
0x62: {  	_ =	shalt  }
0x63: {  	_ =	shalt  }
0x64: {  	_ =	shalt  }
0x65: {  	_ =	shalt  }
0x66: {  	_ =	shalt  }
0x67: {  	_ =	shalt  }
0x68: {  	_ =	shalt  }
0x69: {  	_ =	shalt  }
0x6a: {  	_ =	shalt  }
0x6b: {  	_ =	shalt  }
0x6c: {  	_ =	shalt  }
0x6d: {  	_ =	shalt  }
0x6e: {  	_ =	shalt  }
0x6f: {  	_ =	shalt  }
0x70: {  	_ =	shalt  }
0x71: {  	_ =	shalt  }
0x72: {  	_ =	shalt  }
0x73: {  	_ =	shalt  }
0x74: {  	_ =	shalt  }
0x75: {  	_ =	shalt  }
0x76: {  	_ =	shalt  }
0x77: {  	_ =	shalt  }
0x78: {  	_ =	shalt  }
0x79: {  	_ =	shalt  }
0x7a: {  	_ =	shalt  }
0x7b: {  	_ =	shalt  }
0x7c: {  	_ =	shalt  }
0x7d: {  	_ =	shalt  }
0x7e: {  	_ =	shalt  }
0x7f: {  	_ =	shalt  }
0x80: {  	_ =	shalt  }
0x81: {  	_ =	shalt  }
0x82: {  	_ =	shalt  }
0x83: {  	_ =	shalt  }
0x84: {  	_ =	shalt  }
0x85: {  	_ =	shalt  }
0x86: {  	_ =	shalt  }
0x87: {  	_ =	shalt  }
.Lfunc_end0:
.L_simem_size_0:
called_computation_lowered:
.L_overlay_start_0:
0x88: {  	s2 =	sld [smem:$0x3FD9]  }
0x89: {  	s3 =	sld [smem:$0x3FFE];
	_ =	sdelay $0x1  }
0x8a: {  	s1 =	srdreg.scid  }
0x8b: {  	s0 =	sand.u32 $0x1, s1  }
0x8c: {  	s17 =	sshll.u32 s0, $0xA;
	s2 =	sadd.s32 s3, s2  }
0x8d: {  	s2 =	sadd.s32 s2, s17  }
0x8e: {  	[smem:$0x3FC4] =	sst s2  }
0x8f: {  	_ = 	snop  }
0x90: {  	s2 =	sld [smem:$0x3FC9]  }
0x91: {  	s18 =	sld [smem:$0x3FD0];
	(tm) =	ssettm $0x1  }
0x92: {  	s4 =	sld [smem:$0x3FFB];
	_ =	sdelay $0x3  }
0x93: {  	_ =	strace s4  }
0x94: {  	s4 =	sld [smem:$0x3FFC];
	_ =	sdelay $0x3  }
0x95: {  	_ =	strace s4  }
0x96: {  	s4 =	sld [smem:$0x3FFD];
	_ =	sdelay $0x3  }
0x97: {  	_ =	strace s4  }
0x98: {  	_ =	strace $0x8FFFFFFF  }
0x99: {  	s19 =	sld [smem:$0x3FDB];
	_ =	sdelay $0x1  }
0x9a: {  	s5 =	simm.s32 $_scs_section_size  }
0x9b: {  	s6 =	simm.s32 $_size__tile_overlayer_lowered;
	s7 =	simm.s32 $_tile_overlayer_lowered  }
0x9c: {  	s22 =	simm.s32 $0x1BFF;
	s21 =	sshll.u32 s7, $0x1;
	s4 =	sadd.s32 s5, s19  }
0x9d: {  	s8 =	simm.s32 $0x0;
	s20 =	sshll.u32 s6, $0x1;
	s6 =	sadd.s32 s21, s4  }
0x9e: {  	[timem:s8], [sflag:s22] =	dma.local [hbm:s6], s20  }
0x9f: {  	_ =	swait.ge [sflag:s22], s20  }
0xa0: {  	s5 =	ssub.s32 $0x0, s20;
	[sflag:s22] =	ssyncset.done $0x0  }
0xa1: {  	[sflag:s22] =	ssyncadd.s32 s5;
	_ =	sdelay $0x1  }
0xa2: {  	s23 =	simm.s32 $0x1B8B  }
0xa3: {  	_ =	swait.ge [sflag:s23], $0x1  }
0xa4: {  	[sflag:s23] =	ssyncset.done $0x0  }
0xa5: {  	s25 =	simm.s32 $0x1B8E;
	s24 =	sld [smem:$0x3FFE];
	[sflag:s23] =	ssyncadd.s32 $0xFFFFFFFF  }
0xa6: {  	s26 =	simm.s32 $execute0_lowered;
	[smem:$0x3FD2] =	sst s25  }
0xa7: {  	s6 =	sshll.u32 s26, $0x1;
	_ =	strace $0x80000046;
	[dreg:$0x1] =	wrdreg $0xFFFFFFFF  }
0xa8: {  	s28 =	simm.s32 $_size_execute0_lowered;
	s4 =	sadd.s32 s4, s6;
	[dreg:$0x0] =	wrdreg $0x0  }
0xa9: {  	s6 =	sshll.u32 s28, $0x1;
	[dreg:$0x2] =	wrdreg s4  }
0xaa: {  	[dreg:$0x3] =	wrdreg s6  }
0xab: {  	[dreg:$0x4] =	wrdreg $0xC0  }
0xac: {  	_ =	task [dreg:s8], $0x5FFFF  }
0xad: {  	[dreg:$0x1] =	wrdreg $0xFFFFFFFF  }
0xae: {  	[dreg:$0x0] =	wrdreg $0x60  }
0xaf: {  	[dreg:$0x2] =	wrdreg s2  }
0xb0: {  	[dreg:$0x3] =	wrdreg s24  }
0xb1: {  	[dreg:$0x4] =	wrdreg s18  }
0xb2: {  	[dreg:$0x5] =	wrdreg $0x9  }
0xb3: {  	_ =	task.clear_ibuf [dreg:s8], $0x6FFFF;
	_ =	strace $0x90000046  }
0xb4: {  	s29 =	simm.s32 $0x9;
	_ =	strace $0x80000048  }
0xb5: {  	_ =	swait.ge [sflag:s29], $0x1  }
0xb6: {  	[sflag:s29] =	ssyncadd.s32 $0xFFFFFFFF  }
0xb7: {  	_ =	strace $0x90000048  }
0xb8: {  	_ =	sfence  }
0xb9: {  	s30 =	sld [smem:$0x0];
	_ =	sdelay $0x2  }
0xba: {  	s31 =	sshll.u32 s1, $0xD;
	s1 =	sshrl.u32 s1, $0x2  }
0xbb: {  	s3 =	sand.u32 $0x4000, s31;
	s1 =	sadd.s32 s1, s30  }
0xbc: {  	s0 =	sor.u32 s3, s0;
	s1 =	sshll.u32 s1, $0x11  }
0xbd: {  	s0 =	sor.u32 s1, s0  }
0xbe: {  	s0 =	sadd.s32 $0x8F2B, s0  }
0xbf: {  	[sflag:s0] =	ssyncadd.remote.s32 $0x1  }
0xc0: {  	_ =	sfence.sel $0xFFFF  }
0xc1: {  	[dreg:$0x0] =	wrdreg $0xFFFFFFFF;
	(pc) =	sbr.abs _section_cstart, $3  }
0xc2: {  	[dreg:$0x1] =	wrdreg $0xFFFFFFFF  }
0xc3: {  	_ =	task.clear_ibuf [dreg:s8], $0x2FFFF;
	_ =	strace $0x9FFFFFFF  }
0xc4: {  	(tm) =	ssettm $0x7FFFFFFF  }
0xc5: {  	_ =	shalt  }
tec
execute0_lowered:
.L_overlay_start_1:
0x0: {  	(tag) =	ssettag $0x1  }
0x1: {  	s4 =	rddreg [dreg:$0x0]  }
0x2: {  	s3 =	rddreg [dreg:$0x1]  }
0x3: {  	s5 =	rddreg [dreg:$0x2]  }
0x4: {  	s0 =	rddreg [dreg:$0x3];
	s6 =	srdreg.scid  }
0x5: {  	s2 =	simm.s32 $0x0;
	s1 =	stileid.u32;
	s10 =	simm.s32 $0x1  }
0x6: {  	s11 =	simm.s32 $0x2;
	s12 =	simm.s32 $0x7400;
	s13 =	simm.s32 $0x3  }
0x7: {  	s14 =	simm.s32 $0x0;
	s6 =	sand.u32 $0x1, s6;
	[smem:$0x7FF] =	sst s2  }
0x8: {  	s7 =	sshll.u32 s1, $0xA;
	s3 =	sadd.s32 $0xA00, s3;
	s8 =	sshll.u32 s6, $0x9  }
0x9: {  	_ =	strace $0x80000047;
	s6 =	ssub.s32 $0x2, s6;
	s7 =	sor.u32 s8, s7  }
0xa: {  	s31 =	sshrl.u32 s6, $0x1;
	s8 =	simm.s32 $0x1000;
	s9 =	sshrl.u32 s7, $0x3  }
0xb: {  	s6 =	ssub.s32 s6, s31;
	s4 =	sadd.s32 s4, s7;
	s7 =	simm.s32 $0x7000  }
0xc: {  	s5 =	sadd.s32 s5, s9;
	s6 =	smax.u32 s6, $0x1;
	s9 =	simm.s32 $0x20000  }
.LBB2_1:
0xd: {  	[tilespmem:s7], [sflag:$0x1] =	stream.linear.gather [hbm4b:s3+s2], $0x400, $0x38;
	[tilespmem:$0x7600] =	vst v63  }
0xe: {  	_ = 	snop  }
0xf: {  	[tilespmem:s2], [sflag:$0x2] =	stream.strided.gather [hbm4b:s4+s8], $0x7000, s9, s8, $0x38;
	[tilespmem:$0x7600] =	vst v63  }
0x10: {  	_ =	swait.ge [sflag:s10], $0x400  }
0x11: {  	[sflag:s10] =	ssyncset.done $0x0  }
0x12: {  	[sflag:s10] =	ssyncadd.s32 $0xFFFFFC00  }
0x13: {  	_ =	swait.ge [sflag:s11], $0x7000  }
0x14: {  	s15 =	sand.u32 $0x70, s2;
	s16 =	sand.u32 $0xC00, s2;
	[sflag:s11] =	ssyncset.done $0x0  }
0x15: {  	s15 =	sor.u32 s15, s16;
	[sflag:s11] =	ssyncadd.s32 $0xFFFF9000  }
0x16: {  	v0 =	vld [tilespmem:s15+$0x0];
	_ =	sdelay $0x1  }
0x17: {  	v1 =	vld [tilespmem:s15+$0x80];
	_ =	sdelay $0x1  }
0x18: {  	v2 =	vld [tilespmem:s15+$0x100];
	_ =	sdelay $0x1  }
0x19: {  	v3 =	vld [tilespmem:s15+$0x180]  }
0x1a: {  	v4 =	vld [tilespmem:s15+$0x200]  }
0x1b: {  	v0 =	vld.idx.msk [tilespmem:v0+s7+$0x0], $0xffff  }
0x1c: {  	v5 =	vld [tilespmem:s15+$0x280]  }
0x1d: {  	v1 =	vld.idx.msk [tilespmem:v1+s7+$0x0], $0xffff  }
0x1e: {  	v6 =	vld [tilespmem:s15+$0x300]  }
0x1f: {  	v2 =	vld.idx.msk [tilespmem:v2+s7+$0x0], $0xffff  }
0x20: {  	v7 =	vld [tilespmem:s15+$0x380];
	v0 =	vadd.f32 $0.0e+00, v0  }
0x21: {  	v3 =	vld.idx.msk [tilespmem:v3+s7+$0x0], $0xffff  }
0x22: {  	v8 =	vld [tilespmem:s15+$0x1000];
	v0 =	vadd.f32 v1, v0  }
0x23: {  	v1 =	vld.idx.msk [tilespmem:v4+s7+$0x0], $0xffff  }
0x24: {  	v23 =	vld [tilespmem:s15+$0x1080];
	v0 =	vadd.f32 v2, v0  }
0x25: {  	v2 =	vld.idx.msk [tilespmem:v5+s7+$0x0], $0xffff  }
0x26: {  	v24 =	vld [tilespmem:s15+$0x1100];
	v0 =	vadd.f32 v3, v0  }
0x27: {  	v3 =	vld.idx.msk [tilespmem:v6+s7+$0x0], $0xffff  }
0x28: {  	v25 =	vld [tilespmem:s15+$0x1180];
	v0 =	vadd.f32 v1, v0  }
0x29: {  	v1 =	vld.idx.msk [tilespmem:v7+s7+$0x0], $0xffff  }
0x2a: {  	v26 =	vld [tilespmem:s15+$0x1200];
	v0 =	vadd.f32 v2, v0  }
0x2b: {  	v2 =	vld.idx.msk [tilespmem:v8+s7+$0x0], $0xffff  }
0x2c: {  	v27 =	vld [tilespmem:s15+$0x1280];
	v0 =	vadd.f32 v3, v0  }
0x2d: {  	v3 =	vld.idx.msk [tilespmem:v23+s7+$0x0], $0xffff  }
0x2e: {  	v28 =	vld [tilespmem:s15+$0x1300];
	v0 =	vadd.f32 v1, v0  }
0x2f: {  	v1 =	vld.idx.msk [tilespmem:v24+s7+$0x0], $0xffff  }
0x30: {  	v29 =	vld [tilespmem:s15+$0x1380];
	v0 =	vadd.f32 v2, v0  }
0x31: {  	v2 =	vld.idx.msk [tilespmem:v25+s7+$0x0], $0xffff  }
0x32: {  	v30 =	vld [tilespmem:s15+$0x2000];
	v0 =	vadd.f32 v3, v0  }
0x33: {  	v3 =	vld.idx.msk [tilespmem:v26+s7+$0x0], $0xffff  }
0x34: {  	v31 =	vld [tilespmem:s15+$0x2080];
	v0 =	vadd.f32 v1, v0  }
0x35: {  	v1 =	vld.idx.msk [tilespmem:v27+s7+$0x0], $0xffff  }
0x36: {  	v32 =	vld [tilespmem:s15+$0x2100];
	v0 =	vadd.f32 v2, v0  }
0x37: {  	v2 =	vld.idx.msk [tilespmem:v28+s7+$0x0], $0xffff  }
0x38: {  	v33 =	vld [tilespmem:s15+$0x2180];
	v0 =	vadd.f32 v3, v0  }
0x39: {  	v3 =	vld.idx.msk [tilespmem:v29+s7+$0x0], $0xffff  }
0x3a: {  	v34 =	vld [tilespmem:s15+$0x2200];
	v0 =	vadd.f32 v1, v0  }
0x3b: {  	v1 =	vld.idx.msk [tilespmem:v30+s7+$0x0], $0xffff  }
0x3c: {  	v35 =	vld [tilespmem:s15+$0x2280];
	v0 =	vadd.f32 v2, v0  }
0x3d: {  	v2 =	vld.idx.msk [tilespmem:v31+s7+$0x0], $0xffff  }
0x3e: {  	v36 =	vld [tilespmem:s15+$0x2300];
	v0 =	vadd.f32 v3, v0  }
0x3f: {  	v3 =	vld.idx.msk [tilespmem:v32+s7+$0x0], $0xffff  }
0x40: {  	v37 =	vld [tilespmem:s15+$0x2380];
	v0 =	vadd.f32 v1, v0  }
0x41: {  	v1 =	vld.idx.msk [tilespmem:v33+s7+$0x0], $0xffff  }
0x42: {  	v38 =	vld [tilespmem:s15+$0x3000];
	v0 =	vadd.f32 v2, v0  }
0x43: {  	v2 =	vld.idx.msk [tilespmem:v34+s7+$0x0], $0xffff  }
0x44: {  	v39 =	vld [tilespmem:s15+$0x3080];
	v0 =	vadd.f32 v3, v0  }
0x45: {  	v3 =	vld.idx.msk [tilespmem:v35+s7+$0x0], $0xffff  }
0x46: {  	v40 =	vld [tilespmem:s15+$0x3100];
	v0 =	vadd.f32 v1, v0  }
0x47: {  	v1 =	vld.idx.msk [tilespmem:v36+s7+$0x0], $0xffff  }
0x48: {  	v41 =	vld [tilespmem:s15+$0x3180];
	v0 =	vadd.f32 v2, v0  }
0x49: {  	v2 =	vld.idx.msk [tilespmem:v37+s7+$0x0], $0xffff  }
0x4a: {  	v42 =	vld [tilespmem:s15+$0x3200];
	v0 =	vadd.f32 v3, v0  }
0x4b: {  	v3 =	vld.idx.msk [tilespmem:v38+s7+$0x0], $0xffff  }
0x4c: {  	v43 =	vld [tilespmem:s15+$0x3280];
	v0 =	vadd.f32 v1, v0  }
0x4d: {  	v1 =	vld.idx.msk [tilespmem:v39+s7+$0x0], $0xffff  }
0x4e: {  	v44 =	vld [tilespmem:s15+$0x3300];
	v0 =	vadd.f32 v2, v0  }
0x4f: {  	v2 =	vld.idx.msk [tilespmem:v40+s7+$0x0], $0xffff  }
0x50: {  	v45 =	vld [tilespmem:s15+$0x3380];
	v0 =	vadd.f32 v3, v0  }
0x51: {  	v3 =	vld.idx.msk [tilespmem:v41+s7+$0x0], $0xffff  }
0x52: {  	v46 =	vld [tilespmem:s15+$0x4000];
	v0 =	vadd.f32 v1, v0  }
0x53: {  	v1 =	vld.idx.msk [tilespmem:v42+s7+$0x0], $0xffff  }
0x54: {  	v47 =	vld [tilespmem:s15+$0x4080];
	v0 =	vadd.f32 v2, v0  }
0x55: {  	v2 =	vld.idx.msk [tilespmem:v43+s7+$0x0], $0xffff  }
0x56: {  	v48 =	vld [tilespmem:s15+$0x4100];
	v0 =	vadd.f32 v3, v0  }
0x57: {  	v3 =	vld.idx.msk [tilespmem:v44+s7+$0x0], $0xffff  }
0x58: {  	v49 =	vld [tilespmem:s15+$0x4180];
	v0 =	vadd.f32 v1, v0  }
0x59: {  	v1 =	vld.idx.msk [tilespmem:v45+s7+$0x0], $0xffff  }
0x5a: {  	v50 =	vld [tilespmem:s15+$0x4200];
	v0 =	vadd.f32 v2, v0  }
0x5b: {  	v2 =	vld.idx.msk [tilespmem:v46+s7+$0x0], $0xffff  }
0x5c: {  	v51 =	vld [tilespmem:s15+$0x4280];
	v0 =	vadd.f32 v3, v0  }
0x5d: {  	v3 =	vld.idx.msk [tilespmem:v47+s7+$0x0], $0xffff  }
0x5e: {  	v52 =	vld [tilespmem:s15+$0x4300];
	v0 =	vadd.f32 v1, v0  }
0x5f: {  	v1 =	vld.idx.msk [tilespmem:v48+s7+$0x0], $0xffff  }
0x60: {  	v53 =	vld [tilespmem:s15+$0x4380];
	v0 =	vadd.f32 v2, v0  }
0x61: {  	v2 =	vld.idx.msk [tilespmem:v49+s7+$0x0], $0xffff  }
0x62: {  	v54 =	vld [tilespmem:s15+$0x5000];
	v0 =	vadd.f32 v3, v0  }
0x63: {  	v3 =	vld.idx.msk [tilespmem:v50+s7+$0x0], $0xffff  }
0x64: {  	v55 =	vld [tilespmem:s15+$0x5080];
	v0 =	vadd.f32 v1, v0  }
0x65: {  	v1 =	vld.idx.msk [tilespmem:v51+s7+$0x0], $0xffff  }
0x66: {  	v56 =	vld [tilespmem:s15+$0x5100];
	v0 =	vadd.f32 v2, v0  }
0x67: {  	v2 =	vld.idx.msk [tilespmem:v52+s7+$0x0], $0xffff  }
0x68: {  	v57 =	vld [tilespmem:s15+$0x5180];
	v0 =	vadd.f32 v3, v0  }
0x69: {  	v3 =	vld.idx.msk [tilespmem:v53+s7+$0x0], $0xffff  }
0x6a: {  	v58 =	vld [tilespmem:s15+$0x5200];
	v0 =	vadd.f32 v1, v0  }
0x6b: {  	v1 =	vld.idx.msk [tilespmem:v54+s7+$0x0], $0xffff  }
0x6c: {  	v59 =	vld [tilespmem:s15+$0x5280];
	v0 =	vadd.f32 v2, v0  }
0x6d: {  	v2 =	vld.idx.msk [tilespmem:v55+s7+$0x0], $0xffff  }
0x6e: {  	v60 =	vld [tilespmem:s15+$0x5300];
	v0 =	vadd.f32 v3, v0  }
0x6f: {  	v3 =	vld.idx.msk [tilespmem:v56+s7+$0x0], $0xffff  }
0x70: {  	v61 =	vld [tilespmem:s15+$0x5380];
	v0 =	vadd.f32 v1, v0  }
0x71: {  	v1 =	vld.idx.msk [tilespmem:v57+s7+$0x0], $0xffff  }
0x72: {  	v62 =	vld [tilespmem:s15+$0x6000];
	v0 =	vadd.f32 v2, v0  }
0x73: {  	v2 =	vld.idx.msk [tilespmem:v58+s7+$0x0], $0xffff  }
0x74: {  	v63 =	vld [tilespmem:s15+$0x6080];
	v0 =	vadd.f32 v3, v0  }
0x75: {  	v3 =	vld.idx.msk [tilespmem:v59+s7+$0x0], $0xffff  }
0x76: {  	v0 =	vadd.f32 v1, v0  }
0x77: {  	v1 =	vld.idx.msk [tilespmem:v60+s7+$0x0], $0xffff  }
0x78: {  	v0 =	vadd.f32 v2, v0  }
0x79: {  	v2 =	vld.idx.msk [tilespmem:v61+s7+$0x0], $0xffff  }
0x7a: {  	v0 =	vadd.f32 v3, v0  }
0x7b: {  	v3 =	vld.idx.msk [tilespmem:v62+s7+$0x0], $0xffff  }
0x7c: {  	v0 =	vadd.f32 v1, v0  }
0x7d: {  	v1 =	vld.idx.msk [tilespmem:v63+s7+$0x0], $0xffff  }
0x7e: {  	v0 =	vadd.f32 v2, v0;
	_ =	sdelay $0x1  }
0x7f: {  	v0 =	vadd.f32 v3, v0;
	_ =	sdelay $0x1  }
0x80: {  	v0 =	vadd.f32 v1, v0;
	_ =	sdelay $0x1  }
0x81: {  	v0 =	vsub.f32 $0.0e+00, v0;
	_ =	sdelay $0x1  }
0x82: {  	v0 =	vmul.f32 $1.442695020e+00, v0;
	_ =	sdelay $0x1  }
0x83: {  	(erf) = vpow2.f32 v0;
	_ =	sdelay $0x8  }
0x84: {  	v0 =	vpop (erf)  }
0x85: {  	v0 =	vadd.f32 $1.000000000e+00, v0;
	_ =	sdelay $0x1  }
0x86: {  	(erf) = vrcp.f32 v0;
	_ =	sdelay $0x7  }
0x87: {  	s31 =	simm.s32 $0x10;
	s17 =	simm.s32 $0x20;
	s16 =	simm.s32 $0x80  }
0x88: {  	s18 =	sand.u32 $0x70, s31;
	s19 =	sand.u32 $0xC00, s16;
	s15 =	simm.s32 $0x7400;
	v0 =	vpop (erf)  }
.LBB2_2:
0x89: {  	p0 =	sne.s32 s17, $0x1F0;
	s18 =	sor.u32 s18, s19;
	[tilespmem:s15+$0x0] =	vst v0  }
0x8a: {  	v0 =	vld [tilespmem:s18+$0x0];
	_ =	sdelay $0x1  }
0x8b: {  	v1 =	vld [tilespmem:s18+$0x80];
	_ =	sdelay $0x1  }
0x8c: {  	v2 =	vld [tilespmem:s18+$0x100];
	_ =	sdelay $0x1  }
0x8d: {  	v3 =	vld [tilespmem:s18+$0x180]  }
0x8e: {  	v4 =	vld [tilespmem:s18+$0x200]  }
0x8f: {  	v0 =	vld.idx.msk [tilespmem:v0+s7+$0x0], $0xffff  }
0x90: {  	v5 =	vld [tilespmem:s18+$0x280]  }
0x91: {  	v1 =	vld.idx.msk [tilespmem:v1+s7+$0x0], $0xffff  }
0x92: {  	v6 =	vld [tilespmem:s18+$0x300]  }
0x93: {  	v2 =	vld.idx.msk [tilespmem:v2+s7+$0x0], $0xffff  }
0x94: {  	v7 =	vld [tilespmem:s18+$0x380]  }
0x95: {  	v0 =	vadd.f32 $0.0e+00, v0;
	v3 =	vld.idx.msk [tilespmem:v3+s7+$0x0], $0xffff  }
0x96: {  	v8 =	vld [tilespmem:s18+$0x1000]  }
0x97: {  	v0 =	vadd.f32 v1, v0;
	v1 =	vld.idx.msk [tilespmem:v4+s7+$0x0], $0xffff  }
0x98: {  	v4 =	vld [tilespmem:s18+$0x1080]  }
0x99: {  	v0 =	vadd.f32 v2, v0;
	v2 =	vld.idx.msk [tilespmem:v5+s7+$0x0], $0xffff  }
0x9a: {  	v5 =	vld [tilespmem:s18+$0x1100]  }
0x9b: {  	v0 =	vadd.f32 v3, v0;
	v3 =	vld.idx.msk [tilespmem:v6+s7+$0x0], $0xffff  }
0x9c: {  	v6 =	vld [tilespmem:s18+$0x1180]  }
0x9d: {  	v0 =	vadd.f32 v1, v0;
	v1 =	vld.idx.msk [tilespmem:v7+s7+$0x0], $0xffff  }
0x9e: {  	v7 =	vld [tilespmem:s18+$0x1200]  }
0x9f: {  	v0 =	vadd.f32 v2, v0;
	v2 =	vld.idx.msk [tilespmem:v8+s7+$0x0], $0xffff  }
0xa0: {  	v8 =	vld [tilespmem:s18+$0x1280]  }
0xa1: {  	v0 =	vadd.f32 v3, v0;
	v3 =	vld.idx.msk [tilespmem:v4+s7+$0x0], $0xffff  }
0xa2: {  	v4 =	vld [tilespmem:s18+$0x1300]  }
0xa3: {  	v0 =	vadd.f32 v1, v0;
	v1 =	vld.idx.msk [tilespmem:v5+s7+$0x0], $0xffff  }
0xa4: {  	v5 =	vld [tilespmem:s18+$0x1380]  }
0xa5: {  	v0 =	vadd.f32 v2, v0;
	v2 =	vld.idx.msk [tilespmem:v6+s7+$0x0], $0xffff  }
0xa6: {  	v6 =	vld [tilespmem:s18+$0x2000]  }
0xa7: {  	v0 =	vadd.f32 v3, v0;
	v3 =	vld.idx.msk [tilespmem:v7+s7+$0x0], $0xffff  }
0xa8: {  	v7 =	vld [tilespmem:s18+$0x2080]  }
0xa9: {  	v0 =	vadd.f32 v1, v0;
	v1 =	vld.idx.msk [tilespmem:v8+s7+$0x0], $0xffff  }
0xaa: {  	v8 =	vld [tilespmem:s18+$0x2100]  }
0xab: {  	v0 =	vadd.f32 v2, v0;
	v2 =	vld.idx.msk [tilespmem:v4+s7+$0x0], $0xffff  }
0xac: {  	v4 =	vld [tilespmem:s18+$0x2180]  }
0xad: {  	v0 =	vadd.f32 v3, v0;
	v3 =	vld.idx.msk [tilespmem:v5+s7+$0x0], $0xffff  }
0xae: {  	v5 =	vld [tilespmem:s18+$0x2200]  }
0xaf: {  	v0 =	vadd.f32 v1, v0;
	v1 =	vld.idx.msk [tilespmem:v6+s7+$0x0], $0xffff  }
0xb0: {  	v6 =	vld [tilespmem:s18+$0x2280]  }
0xb1: {  	v0 =	vadd.f32 v2, v0;
	v2 =	vld.idx.msk [tilespmem:v7+s7+$0x0], $0xffff  }
0xb2: {  	v7 =	vld [tilespmem:s18+$0x2300]  }
0xb3: {  	v0 =	vadd.f32 v3, v0;
	v3 =	vld.idx.msk [tilespmem:v8+s7+$0x0], $0xffff  }
0xb4: {  	v8 =	vld [tilespmem:s18+$0x2380]  }
0xb5: {  	v0 =	vadd.f32 v1, v0;
	v1 =	vld.idx.msk [tilespmem:v4+s7+$0x0], $0xffff  }
0xb6: {  	v4 =	vld [tilespmem:s18+$0x3000]  }
0xb7: {  	v0 =	vadd.f32 v2, v0;
	v2 =	vld.idx.msk [tilespmem:v5+s7+$0x0], $0xffff  }
0xb8: {  	v5 =	vld [tilespmem:s18+$0x3080]  }
0xb9: {  	v0 =	vadd.f32 v3, v0;
	v3 =	vld.idx.msk [tilespmem:v6+s7+$0x0], $0xffff  }
0xba: {  	v6 =	vld [tilespmem:s18+$0x3100]  }
0xbb: {  	v0 =	vadd.f32 v1, v0;
	v1 =	vld.idx.msk [tilespmem:v7+s7+$0x0], $0xffff  }
0xbc: {  	v7 =	vld [tilespmem:s18+$0x3180]  }
0xbd: {  	v0 =	vadd.f32 v2, v0;
	v2 =	vld.idx.msk [tilespmem:v8+s7+$0x0], $0xffff  }
0xbe: {  	v8 =	vld [tilespmem:s18+$0x3200]  }
0xbf: {  	v0 =	vadd.f32 v3, v0;
	v3 =	vld.idx.msk [tilespmem:v4+s7+$0x0], $0xffff  }
0xc0: {  	v4 =	vld [tilespmem:s18+$0x3280]  }
0xc1: {  	v0 =	vadd.f32 v1, v0;
	v1 =	vld.idx.msk [tilespmem:v5+s7+$0x0], $0xffff  }
0xc2: {  	v5 =	vld [tilespmem:s18+$0x3300]  }
0xc3: {  	v0 =	vadd.f32 v2, v0;
	v2 =	vld.idx.msk [tilespmem:v6+s7+$0x0], $0xffff  }
0xc4: {  	v6 =	vld [tilespmem:s18+$0x3380]  }
0xc5: {  	v0 =	vadd.f32 v3, v0;
	v3 =	vld.idx.msk [tilespmem:v7+s7+$0x0], $0xffff  }
0xc6: {  	v7 =	vld [tilespmem:s18+$0x4000]  }
0xc7: {  	v0 =	vadd.f32 v1, v0;
	v1 =	vld.idx.msk [tilespmem:v8+s7+$0x0], $0xffff  }
0xc8: {  	v8 =	vld [tilespmem:s18+$0x4080]  }
0xc9: {  	v0 =	vadd.f32 v2, v0;
	v2 =	vld.idx.msk [tilespmem:v4+s7+$0x0], $0xffff  }
0xca: {  	v4 =	vld [tilespmem:s18+$0x4100]  }
0xcb: {  	v0 =	vadd.f32 v3, v0;
	v3 =	vld.idx.msk [tilespmem:v5+s7+$0x0], $0xffff  }
0xcc: {  	v5 =	vld [tilespmem:s18+$0x4180]  }
0xcd: {  	v0 =	vadd.f32 v1, v0;
	v1 =	vld.idx.msk [tilespmem:v6+s7+$0x0], $0xffff  }
0xce: {  	v6 =	vld [tilespmem:s18+$0x4200]  }
0xcf: {  	v0 =	vadd.f32 v2, v0;
	v2 =	vld.idx.msk [tilespmem:v7+s7+$0x0], $0xffff  }
0xd0: {  	v7 =	vld [tilespmem:s18+$0x4280]  }
0xd1: {  	v0 =	vadd.f32 v3, v0;
	v3 =	vld.idx.msk [tilespmem:v8+s7+$0x0], $0xffff  }
0xd2: {  	v8 =	vld [tilespmem:s18+$0x4300]  }
0xd3: {  	v0 =	vadd.f32 v1, v0;
	v1 =	vld.idx.msk [tilespmem:v4+s7+$0x0], $0xffff  }
0xd4: {  	v4 =	vld [tilespmem:s18+$0x4380]  }
0xd5: {  	v0 =	vadd.f32 v2, v0;
	v2 =	vld.idx.msk [tilespmem:v5+s7+$0x0], $0xffff  }
0xd6: {  	v5 =	vld [tilespmem:s18+$0x5000]  }
0xd7: {  	v0 =	vadd.f32 v3, v0;
	v3 =	vld.idx.msk [tilespmem:v6+s7+$0x0], $0xffff  }
0xd8: {  	v6 =	vld [tilespmem:s18+$0x5080]  }
0xd9: {  	v0 =	vadd.f32 v1, v0;
	v1 =	vld.idx.msk [tilespmem:v7+s7+$0x0], $0xffff  }
0xda: {  	v7 =	vld [tilespmem:s18+$0x5100]  }
0xdb: {  	v0 =	vadd.f32 v2, v0;
	v2 =	vld.idx.msk [tilespmem:v8+s7+$0x0], $0xffff  }
0xdc: {  	v8 =	vld [tilespmem:s18+$0x5180]  }
0xdd: {  	v0 =	vadd.f32 v3, v0;
	v3 =	vld.idx.msk [tilespmem:v4+s7+$0x0], $0xffff  }
0xde: {  	v4 =	vld [tilespmem:s18+$0x5200]  }
0xdf: {  	v0 =	vadd.f32 v1, v0;
	v1 =	vld.idx.msk [tilespmem:v5+s7+$0x0], $0xffff  }
0xe0: {  	v5 =	vld [tilespmem:s18+$0x5280]  }
0xe1: {  	v0 =	vadd.f32 v2, v0;
	v2 =	vld.idx.msk [tilespmem:v6+s7+$0x0], $0xffff  }
0xe2: {  	v6 =	vld [tilespmem:s18+$0x5300]  }
0xe3: {  	v0 =	vadd.f32 v3, v0;
	v3 =	vld.idx.msk [tilespmem:v7+s7+$0x0], $0xffff  }
0xe4: {  	v7 =	vld [tilespmem:s18+$0x5380]  }
0xe5: {  	v0 =	vadd.f32 v1, v0;
	v1 =	vld.idx.msk [tilespmem:v8+s7+$0x0], $0xffff  }
0xe6: {  	v8 =	vld [tilespmem:s18+$0x6000]  }
0xe7: {  	v0 =	vadd.f32 v2, v0;
	v2 =	vld.idx.msk [tilespmem:v4+s7+$0x0], $0xffff  }
0xe8: {  	v4 =	vld [tilespmem:s18+$0x6080]  }
0xe9: {  	v0 =	vadd.f32 v3, v0;
	v3 =	vld.idx.msk [tilespmem:v5+s7+$0x0], $0xffff;
	_ =	sdelay $0x1  }
0xea: {  	v0 =	vadd.f32 v1, v0;
	v1 =	vld.idx.msk [tilespmem:v6+s7+$0x0], $0xffff;
	_ =	sdelay $0x1  }
0xeb: {  	v0 =	vadd.f32 v2, v0;
	v2 =	vld.idx.msk [tilespmem:v7+s7+$0x0], $0xffff;
	_ =	sdelay $0x1  }
0xec: {  	v0 =	vadd.f32 v3, v0;
	v3 =	vld.idx.msk [tilespmem:v8+s7+$0x0], $0xffff;
	_ =	sdelay $0x1  }
0xed: {  	v0 =	vadd.f32 v1, v0;
	v1 =	vld.idx.msk [tilespmem:v4+s7+$0x0], $0xffff;
	_ =	sdelay $0x1  }
0xee: {  	v0 =	vadd.f32 v2, v0;
	_ =	sdelay $0x1  }
0xef: {  	v0 =	vadd.f32 v3, v0;
	_ =	sdelay $0x1  }
0xf0: {  	v0 =	vadd.f32 v1, v0;
	_ =	sdelay $0x1  }
0xf1: {  	v0 =	vsub.f32 $0.0e+00, v0;
	_ =	sdelay $0x1  }
0xf2: {  	v0 =	vmul.f32 $1.442695020e+00, v0;
	_ =	sdelay $0x1  }
0xf3: {  	(erf) = vpow2.f32 v0;
	_ =	sdelay $0x8  }
0xf4: {  	v0 =	vpop (erf)  }
0xf5: {  	v0 =	vadd.f32 $1.000000000e+00, v0;
	_ =	sdelay $0x1  }
0xf6: {  	(erf) = vrcp.f32 v0;
	_ =	sdelay $0x4  }
.Ltmp0:
0xf7: {  	(pc) =	sbr.rel @p0 .LBB2_2-.Ltmp0, $3  }
0xf8: {  	_ =	sdelay $0x1  }
0xf9: {  	s16 =	sadd.s32 $0x80, s16;
	s15 =	sadd.s32 $0x10, s15  }
0xfa: {  	s19 =	sand.u32 $0xC00, s16;
	s18 =	sand.u32 $0x70, s17;
	s17 =	sadd.s32 $0x10, s17;
	v0 =	vpop (erf)  }
0xfb: {  	s16 =	sor.u32 s18, s19;
	[tilespmem:s15+$0x0] =	vst v0  }
0xfc: {  	v0 =	vld [tilespmem:s16+$0x0];
	_ =	sdelay $0x1  }
0xfd: {  	v1 =	vld [tilespmem:s16+$0x80];
	_ =	sdelay $0x1  }
0xfe: {  	v2 =	vld [tilespmem:s16+$0x100];
	_ =	sdelay $0x1  }
0xff: {  	v3 =	vld [tilespmem:s16+$0x180]  }
0x100: {  	v4 =	vld [tilespmem:s16+$0x200]  }
0x101: {  	v0 =	vld.idx.msk [tilespmem:v0+s7+$0x0], $0xffff  }
0x102: {  	v5 =	vld [tilespmem:s16+$0x280]  }
0x103: {  	v1 =	vld.idx.msk [tilespmem:v1+s7+$0x0], $0xffff  }
0x104: {  	v6 =	vld [tilespmem:s16+$0x300]  }
0x105: {  	v2 =	vld.idx.msk [tilespmem:v2+s7+$0x0], $0xffff  }
0x106: {  	v7 =	vld [tilespmem:s16+$0x380];
	v0 =	vadd.f32 $0.0e+00, v0  }
0x107: {  	v3 =	vld.idx.msk [tilespmem:v3+s7+$0x0], $0xffff  }
0x108: {  	v8 =	vld [tilespmem:s16+$0x1000];
	v0 =	vadd.f32 v1, v0  }
0x109: {  	v29 =	vld.idx.msk [tilespmem:v4+s7+$0x0], $0xffff  }
0x10a: {  	v30 =	vld [tilespmem:s16+$0x1080];
	v0 =	vadd.f32 v2, v0  }
0x10b: {  	v31 =	vld.idx.msk [tilespmem:v5+s7+$0x0], $0xffff  }
0x10c: {  	v32 =	vld [tilespmem:s16+$0x1100];
	v0 =	vadd.f32 v3, v0  }
0x10d: {  	v33 =	vld.idx.msk [tilespmem:v6+s7+$0x0], $0xffff  }
0x10e: {  	v34 =	vld [tilespmem:s16+$0x1180];
	v0 =	vadd.f32 v29, v0  }
0x10f: {  	v35 =	vld.idx.msk [tilespmem:v7+s7+$0x0], $0xffff  }
0x110: {  	v36 =	vld [tilespmem:s16+$0x1200];
	v0 =	vadd.f32 v31, v0  }
0x111: {  	v37 =	vld.idx.msk [tilespmem:v8+s7+$0x0], $0xffff  }
0x112: {  	v38 =	vld [tilespmem:s16+$0x1280];
	v0 =	vadd.f32 v33, v0  }
0x113: {  	v39 =	vld.idx.msk [tilespmem:v30+s7+$0x0], $0xffff  }
0x114: {  	v40 =	vld [tilespmem:s16+$0x1300];
	v0 =	vadd.f32 v35, v0  }
0x115: {  	v41 =	vld.idx.msk [tilespmem:v32+s7+$0x0], $0xffff  }
0x116: {  	v42 =	vld [tilespmem:s16+$0x1380];
	v0 =	vadd.f32 v37, v0  }
0x117: {  	v43 =	vld.idx.msk [tilespmem:v34+s7+$0x0], $0xffff  }
0x118: {  	v44 =	vld [tilespmem:s16+$0x2000];
	v0 =	vadd.f32 v39, v0  }
0x119: {  	v45 =	vld.idx.msk [tilespmem:v36+s7+$0x0], $0xffff  }
0x11a: {  	v46 =	vld [tilespmem:s16+$0x2080];
	v0 =	vadd.f32 v41, v0  }
0x11b: {  	v47 =	vld.idx.msk [tilespmem:v38+s7+$0x0], $0xffff  }
0x11c: {  	v48 =	vld [tilespmem:s16+$0x2100];
	v0 =	vadd.f32 v43, v0  }
0x11d: {  	v49 =	vld.idx.msk [tilespmem:v40+s7+$0x0], $0xffff  }
0x11e: {  	v50 =	vld [tilespmem:s16+$0x2180];
	v0 =	vadd.f32 v45, v0  }
0x11f: {  	v51 =	vld.idx.msk [tilespmem:v42+s7+$0x0], $0xffff  }
0x120: {  	v52 =	vld [tilespmem:s16+$0x2200];
	v0 =	vadd.f32 v47, v0  }
0x121: {  	v53 =	vld.idx.msk [tilespmem:v44+s7+$0x0], $0xffff  }
0x122: {  	v54 =	vld [tilespmem:s16+$0x2280];
	v0 =	vadd.f32 v49, v0  }
0x123: {  	v55 =	vld.idx.msk [tilespmem:v46+s7+$0x0], $0xffff  }
0x124: {  	v56 =	vld [tilespmem:s16+$0x2300];
	v0 =	vadd.f32 v51, v0  }
0x125: {  	v57 =	vld.idx.msk [tilespmem:v48+s7+$0x0], $0xffff  }
0x126: {  	v58 =	vld [tilespmem:s16+$0x2380];
	v0 =	vadd.f32 v53, v0  }
0x127: {  	v59 =	vld.idx.msk [tilespmem:v50+s7+$0x0], $0xffff  }
0x128: {  	v60 =	vld [tilespmem:s16+$0x3000];
	v0 =	vadd.f32 v55, v0  }
0x129: {  	v61 =	vld.idx.msk [tilespmem:v52+s7+$0x0], $0xffff  }
0x12a: {  	v62 =	vld [tilespmem:s16+$0x3080];
	v0 =	vadd.f32 v57, v0  }
0x12b: {  	v63 =	vld.idx.msk [tilespmem:v54+s7+$0x0], $0xffff  }
0x12c: {  	v12 =	vld [tilespmem:s16+$0x3100];
	v0 =	vadd.f32 v59, v0  }
0x12d: {  	v13 =	vld.idx.msk [tilespmem:v56+s7+$0x0], $0xffff  }
0x12e: {  	v14 =	vld [tilespmem:s16+$0x3180];
	v0 =	vadd.f32 v61, v0  }
0x12f: {  	v15 =	vld.idx.msk [tilespmem:v58+s7+$0x0], $0xffff  }
0x130: {  	v16 =	vld [tilespmem:s16+$0x3200];
	v0 =	vadd.f32 v63, v0  }
0x131: {  	v17 =	vld.idx.msk [tilespmem:v60+s7+$0x0], $0xffff  }
0x132: {  	v18 =	vld [tilespmem:s16+$0x3280];
	v0 =	vadd.f32 v13, v0  }
0x133: {  	v19 =	vld.idx.msk [tilespmem:v62+s7+$0x0], $0xffff  }
0x134: {  	v20 =	vld [tilespmem:s16+$0x3300];
	v0 =	vadd.f32 v15, v0  }
0x135: {  	v21 =	vld.idx.msk [tilespmem:v12+s7+$0x0], $0xffff  }
0x136: {  	v22 =	vld [tilespmem:s16+$0x3380];
	v0 =	vadd.f32 v17, v0  }
0x137: {  	v23 =	vld.idx.msk [tilespmem:v14+s7+$0x0], $0xffff  }
0x138: {  	v24 =	vld [tilespmem:s16+$0x4000];
	v0 =	vadd.f32 v19, v0  }
0x139: {  	v25 =	vld.idx.msk [tilespmem:v16+s7+$0x0], $0xffff  }
0x13a: {  	v26 =	vld [tilespmem:s16+$0x4080];
	v0 =	vadd.f32 v21, v0  }
0x13b: {  	v27 =	vld.idx.msk [tilespmem:v18+s7+$0x0], $0xffff  }
0x13c: {  	v28 =	vld [tilespmem:s16+$0x4100];
	v0 =	vadd.f32 v23, v0  }
0x13d: {  	v29 =	vld.idx.msk [tilespmem:v20+s7+$0x0], $0xffff  }
0x13e: {  	v30 =	vld [tilespmem:s16+$0x4180];
	v0 =	vadd.f32 v25, v0  }
0x13f: {  	v31 =	vld.idx.msk [tilespmem:v22+s7+$0x0], $0xffff  }
0x140: {  	v32 =	vld [tilespmem:s16+$0x4200];
	v0 =	vadd.f32 v27, v0  }
0x141: {  	v33 =	vld.idx.msk [tilespmem:v24+s7+$0x0], $0xffff  }
0x142: {  	v34 =	vld [tilespmem:s16+$0x4280];
	v0 =	vadd.f32 v29, v0  }
0x143: {  	v35 =	vld.idx.msk [tilespmem:v26+s7+$0x0], $0xffff  }
0x144: {  	v36 =	vld [tilespmem:s16+$0x4300];
	v0 =	vadd.f32 v31, v0  }
0x145: {  	v37 =	vld.idx.msk [tilespmem:v28+s7+$0x0], $0xffff  }
0x146: {  	v38 =	vld [tilespmem:s16+$0x4380];
	v0 =	vadd.f32 v33, v0  }
0x147: {  	v39 =	vld.idx.msk [tilespmem:v30+s7+$0x0], $0xffff  }
0x148: {  	v40 =	vld [tilespmem:s16+$0x5000];
	v0 =	vadd.f32 v35, v0  }
0x149: {  	v41 =	vld.idx.msk [tilespmem:v32+s7+$0x0], $0xffff  }
0x14a: {  	v42 =	vld [tilespmem:s16+$0x5080];
	v0 =	vadd.f32 v37, v0  }
0x14b: {  	v43 =	vld.idx.msk [tilespmem:v34+s7+$0x0], $0xffff  }
0x14c: {  	v44 =	vld [tilespmem:s16+$0x5100];
	v0 =	vadd.f32 v39, v0  }
0x14d: {  	v45 =	vld.idx.msk [tilespmem:v36+s7+$0x0], $0xffff  }
0x14e: {  	v46 =	vld [tilespmem:s16+$0x5180];
	v0 =	vadd.f32 v41, v0  }
0x14f: {  	v47 =	vld.idx.msk [tilespmem:v38+s7+$0x0], $0xffff  }
0x150: {  	v48 =	vld [tilespmem:s16+$0x5200];
	v0 =	vadd.f32 v43, v0  }
0x151: {  	v49 =	vld.idx.msk [tilespmem:v40+s7+$0x0], $0xffff  }
0x152: {  	v50 =	vld [tilespmem:s16+$0x5280];
	v0 =	vadd.f32 v45, v0  }
0x153: {  	v51 =	vld.idx.msk [tilespmem:v42+s7+$0x0], $0xffff  }
0x154: {  	v52 =	vld [tilespmem:s16+$0x5300];
	v0 =	vadd.f32 v47, v0  }
0x155: {  	v53 =	vld.idx.msk [tilespmem:v44+s7+$0x0], $0xffff  }
0x156: {  	v54 =	vld [tilespmem:s16+$0x5380];
	v0 =	vadd.f32 v49, v0  }
0x157: {  	v55 =	vld.idx.msk [tilespmem:v46+s7+$0x0], $0xffff  }
0x158: {  	v56 =	vld [tilespmem:s16+$0x6000];
	v0 =	vadd.f32 v51, v0  }
0x159: {  	v57 =	vld.idx.msk [tilespmem:v48+s7+$0x0], $0xffff  }
0x15a: {  	v58 =	vld [tilespmem:s16+$0x6080];
	v0 =	vadd.f32 v53, v0  }
0x15b: {  	v59 =	vld.idx.msk [tilespmem:v50+s7+$0x0], $0xffff  }
0x15c: {  	v0 =	vadd.f32 v55, v0  }
0x15d: {  	v60 =	vld.idx.msk [tilespmem:v52+s7+$0x0], $0xffff  }
0x15e: {  	v0 =	vadd.f32 v57, v0  }
0x15f: {  	v61 =	vld.idx.msk [tilespmem:v54+s7+$0x0], $0xffff  }
0x160: {  	v0 =	vadd.f32 v59, v0  }
0x161: {  	v62 =	vld.idx.msk [tilespmem:v56+s7+$0x0], $0xffff  }
0x162: {  	v0 =	vadd.f32 v60, v0  }
0x163: {  	v63 =	vld.idx.msk [tilespmem:v58+s7+$0x0], $0xffff  }
0x164: {  	v0 =	vadd.f32 v61, v0;
	_ =	sdelay $0x1  }
0x165: {  	v0 =	vadd.f32 v62, v0;
	_ =	sdelay $0x1  }
0x166: {  	v0 =	vadd.f32 v63, v0;
	_ =	sdelay $0x1  }
0x167: {  	v0 =	vsub.f32 $0.0e+00, v0;
	_ =	sdelay $0x1  }
0x168: {  	v0 =	vmul.f32 $1.442695020e+00, v0;
	_ =	sdelay $0x1  }
0x169: {  	(erf) = vpow2.f32 v0;
	_ =	sdelay $0x8  }
0x16a: {  	v0 =	vpop (erf)  }
0x16b: {  	v0 =	vadd.f32 $1.000000000e+00, v0;
	_ =	sdelay $0x1  }
0x16c: {  	(erf) = vrcp.f32 v0;
	_ =	sdelay $0x7  }
0x16d: {  	s14 =	sadd.s32 $0x1, s14  }
0x16e: {  	s31 =	sadd.s32 $0x10, s15;
	p0 =	sne.s32 s14, s6;
	v0 =	vpop (erf)  }
.Ltmp1:
0x16f: {  	[tilespmem:s31+$0x0] =	vst v0;
	(pc) =	sbr.rel @p0 .LBB2_1-.Ltmp1, $4  }
0x170: {  	[hbm4b:s5+s2] =	stream.linear.scatter [tilespmem:s12], [sflag:$0x3], $0x200, $0x38;
	[tilespmem:$0x7600] =	vst v63  }
0x171: {  	_ =	swait.ge [sflag:s13], $0x200  }
0x172: {  	[sflag:s13] =	ssyncset.done $0x0  }
0x173: {  	[sflag:s13] =	ssyncadd.s32 $0xFFFFFE00  }
0x174: {  	_ =	sfence.sel $0x180000  }
0x175: {  	[bflag:$0x0] =	sbarrier.arrive $0xFFFF  }
0x176: {  	p0 =	sne.s32 s1, $0x0;
	_ =	strace $0x90000047  }
0x177: {  	s0 =	sadd.s32 @!p0 $0x100000, s0;
	[bflag:$0x2] =	sbarrier.arrive $0xFFFF  }
0x178: {  	[sflag:s0] =	ssyncadd.tile.s32 @!p0 $0x1;
	_ =	shalt  }
.Lfunc_end2:
_tile_overlayer_lowered:
.L_overlay_start_2:
0x179: {  	(tag) =	ssettag $0x2  }
0x17a: {  	s0 =	rddreg [dreg:$0x0];
	s2 =	stileid.u32  }
0x17b: {  	s1 =	rddreg [dreg:$0x1];
	p0 =	sne.s32 s2, $0x0  }
0x17c: {  	s3 =	rddreg [dreg:$0x2];
	[bflag:$0x3] =	sbarrier.arrive $0xFFFF;
	s2 =	simm.s32 @!p0 $0x1C03  }
0x17d: {  	[timem:s3], [sflag:s2] =	dma.local @!p0 [hbm:s0], s1  }
0x17e: {  	s0 =	simm.s32 @!p0 $0x3  }
0x17f: {  	_ =	swait.ge @!p0 [sflag:s0], s1  }
0x180: {  	s1 =	ssub.s32 @!p0 $0x0, s1;
	[sflag:s0] =	ssyncset.done @!p0 $0x0  }
0x181: {  	[sflag:s0] =	ssyncadd.s32 @!p0 s1  }
0x182: {  	[bflag:$0x3] =	sbarrier.arrive $0xFFFF  }
0x183: {  	_ =	shalt  }

</sc_bundles>
